<compile_context>
chip_gen: v7x
topology: tpu7x:2x2x1
jax: 0.10.2.dev20260603
libtpu: 0.0.44.dev20260713+nightly
codegen_flags: <defaults>
</compile_context>

<pallas_src>
import functools

import jax
import jax.numpy as jnp
from jax import lax
from jax.experimental import pallas as pl
from jax.experimental.pallas import tpu as pltpu
from jax.experimental.pallas import tpu_sc as plsc

N_NODES = 10000
N_EDGES = 320000
D = 128
DA = D + 16

NC = 2
NS = 16
NW = NC * NS
CHUNK = 128
CHUNKS_PER_W = N_EDGES // (NW * CHUNK) + 1
E_PAD = NW * CHUNK * CHUNKS_PER_W
N_PAD = 10112
ROWS_PER_TILE = N_PAD // NS
TRASH_ROW = N_NODES + 8


def _sc_aggregate(inputs_aug, src3, dst3):
    mesh = plsc.VectorSubcoreMesh(core_axis_name="c", subcore_axis_name="s")

    @functools.partial(
        pl.kernel,
        out_type=jax.ShapeDtypeStruct((NC, N_PAD, DA), jnp.float32),
        mesh=mesh,
        scratch_types=[
            pltpu.VMEM((CHUNKS_PER_W, CHUNK), jnp.int32),
            pltpu.VMEM((CHUNKS_PER_W, CHUNK), jnp.int32),
            pltpu.VMEM((CHUNK, DA), jnp.float32),
            pltpu.VMEM_SHARED((N_PAD, DA), jnp.float32),
            pltpu.SemaphoreType.DMA,
        ],
        compiler_params=pltpu.CompilerParams(use_tc_tiling_on_sc=False),
    )
    def sc_kernel(inputs_hbm, src_hbm, dst_hbm, acc_out,
                  src_v, dst_v, rows_v, acc_s, sem):
        cid = lax.axis_index("c")
        sid = lax.axis_index("s")
        wid = cid * NS + sid
        row0 = sid * ROWS_PER_TILE

        z16 = jnp.zeros((16,), jnp.float32)

        def fill_rows(i, _):
            for c in range(DA // 16):
                rows_v[i, pl.ds(c * 16, 16)] = z16
            return 0
        lax.fori_loop(0, CHUNK, fill_rows, 0)

        for t in range(ROWS_PER_TILE // CHUNK):
            pltpu.sync_copy(rows_v, acc_s.at[pl.ds(row0 + t * CHUNK, CHUNK)])
        rem = ROWS_PER_TILE % CHUNK
        if rem:
            pltpu.sync_copy(rows_v.at[pl.ds(0, rem)],
                            acc_s.at[pl.ds(row0 + ROWS_PER_TILE - rem, rem)])
        plsc.subcore_barrier()

        pltpu.sync_copy(src_hbm.at[wid], src_v)
        pltpu.sync_copy(dst_hbm.at[wid], dst_v)

        def body(j, _):
            pltpu.async_copy(inputs_hbm.at[src_v.at[j]], rows_v, sem).wait()
            pltpu.sync_copy(rows_v, acc_s.at[dst_v.at[j]], add=True)
            return 0
        lax.fori_loop(0, CHUNKS_PER_W, body, 0)
        plsc.subcore_barrier()

        pltpu.sync_copy(acc_s.at[pl.ds(row0, ROWS_PER_TILE)],
                        acc_out.at[cid, pl.ds(row0, ROWS_PER_TILE)])

    return sc_kernel(inputs_aug, src3, dst3)


def _tc_finish(acc, W, b2):
    BLK = 400
    grid = N_NODES // BLK

    def tc_kernel(acc_ref, w_ref, b_ref, o_ref):
        s = acc_ref[0] + acc_ref[1]
        a = s[:, :D]
        c = jnp.max(s[:, D:], axis=1)
        h = a / jnp.maximum(c, 1.0)[:, None]
        o_ref[...] = lax.dot_general(
            h, w_ref[...], (((1,), (1,)), ((), ())),
            preferred_element_type=jnp.float32) + b_ref[...]

    return pl.pallas_call(
        tc_kernel,
        grid=(grid,),
        in_specs=[
            pl.BlockSpec((NC, BLK, DA), lambda i: (0, i, 0)),
            pl.BlockSpec((D, D), lambda i: (0, 0)),
            pl.BlockSpec((1, D), lambda i: (0, 0)),
        ],
        out_specs=pl.BlockSpec((BLK, D), lambda i: (i, 0)),
        out_shape=jax.ShapeDtypeStruct((N_NODES, D), jnp.float32),
    )(acc, W, b2)


def kernel(inputs, edge_index, W, b):
    inputs_aug = jnp.concatenate(
        [inputs, jnp.ones((N_NODES, DA - D), jnp.float32)], axis=1)
    src = edge_index[0].astype(jnp.int32)
    dst = edge_index[1].astype(jnp.int32)
    pad = E_PAD - N_EDGES
    src = jnp.concatenate([src, jnp.zeros((pad,), jnp.int32)])
    dst = jnp.concatenate([dst, jnp.full((pad,), TRASH_ROW, jnp.int32)])
    src3 = src.reshape(NW, CHUNKS_PER_W, CHUNK)
    dst3 = dst.reshape(NW, CHUNKS_PER_W, CHUNK)
    acc = _sc_aggregate(inputs_aug, src3, dst3)
    return _tc_finish(acc, W, b.reshape(1, D))

# --- scband reference (transcript-rebuilt; emitter-appended) ---
"""Pipeline reference for scband-gcnlayer-82721070121689 (READ-ONLY COPY).

The authoritative reference and input builder live on the scoring server;
editing this copy changes nothing except your own understanding.
"""

import jax, jax.numpy as jnp
import numpy as np

N_NODES = 10000
N_EDGES = 320000
D_IN = 128
D_OUT = 128

def setup_inputs(seed: int = 0) -> dict:
    key = jax.random.key(seed)
    k1, k2, k3, k4 = jax.random.split(key, 4)
    inputs = jax.random.normal(k1, (N_NODES, D_IN), dtype=jnp.float32)
    edge_index = jax.random.randint(k2, (2, N_EDGES), 0, N_NODES, dtype=jnp.int64)
    bound = 1.0 / np.sqrt(D_IN)
    W = jax.random.uniform(k3, (D_OUT, D_IN), dtype=jnp.float32, minval=-bound, maxval=bound)
    b = jax.random.uniform(k4, (D_OUT,), dtype=jnp.float32, minval=-bound, maxval=bound)
    return {"inputs": inputs, "edge_index": edge_index, "W": W, "b": b}

def reference(inputs, edge_index, W, b):
    # DGL GCNLayer: msg = src['h']; reduce = mean over mailbox; then linear
    src = edge_index[0]
    dst = edge_index[1]
    msgs = jnp.take(inputs, src, axis=0)                      # gather [E, d]
    summed = jax.ops.segment_sum(msgs, dst, num_segments=N_NODES)
    cnt = jax.ops.segment_sum(jnp.ones((msgs.shape[0],), dtype=inputs.dtype), dst, num_segments=N_NODES)
    h = summed / jnp.maximum(cnt, 1.0)[:, None]               # mean reduce
    out = h @ W.T + b                                         # nn.Linear
    return out

if __name__ == "__main__":
    import jax
    _d = setup_inputs()
    print(jax.jit(kernel)(*tuple(_d.values())))

</pallas_src>

<mosaic_0001>
#map = affine_map<(d0, d1) -> (0, 0)>
#map1 = affine_map<(d0, d1) -> (0, 0, 0)>
module attributes {stable_mosaic.version = 14 : i64} {
  func.func @sc_kernel(%arg0: i32, %arg1: i32, %arg2: memref<10000x144xf32, #tpu.memory_space<hbm>>, %arg3: memref<32x79x128xi32, #tpu.memory_space<hbm>>, %arg4: memref<32x79x128xi32, #tpu.memory_space<hbm>>, %arg5: memref<2x10112x144xf32, #tpu.memory_space<hbm>>, %arg6: memref<79x128xi32, #tpu.memory_space<vmem>>, %arg7: memref<79x128xi32, #tpu.memory_space<vmem>>, %arg8: memref<128x144xf32, #tpu.memory_space<vmem>>, %arg9: memref<10112x144xf32, #tpu.memory_space<vmem_shared>>, %arg10: memref<!tpu.dma_semaphore, #tpu.memory_space<semaphore_mem>>) attributes {dimension_semantics = [#tpu.dimension_semantics<core_parallel>, #tpu.dimension_semantics<subcore_parallel>], iteration_bounds = array<i64: 2, 16>, scalar_prefetch = 0 : i64, scratch_operands = 5 : i64, tpu.core_type = #tpu.core_type<sc_vector_subcore>, window_params = [{transform_indices = #map}, {transform_indices = #map1}, {transform_indices = #map1}, {transform_indices = #map1}]} {
    %mul3A = arith.constant 16 : i32
    %mul3A_0 = arith.muli %arg0, %mul3A : i32
    %add3A = arith.addi %mul3A_0, %arg1 : i32
    %mul3A_1 = arith.constant 632 : i32
    %mul3A_2 = arith.muli %arg1, %mul3A_1 : i32
    %broadcast_in_dim3A = arith.constant 0.000000e+00 : f32
    %broadcast_in_dim3A_3 = vector.broadcast %broadcast_in_dim3A : f32 to vector<16xf32>
    %scan3A = arith.constant 0 : i32
    %scan3A_4 = arith.constant 0 : i32
    %scan3A_5 = arith.constant 128 : i32
    %scan3A_6 = arith.addi %scan3A_4, %scan3A_5 : i32
    %scan3A_7 = arith.constant 1 : i32
    %scan3A_8 = scf.for %scan3A_29 = %scan3A_4 to %scan3A_6 step %scan3A_7 iter_args(%scan3A_30 = %scan3A) -> (i32)  : i32 {
      %swap3A = arith.index_cast %scan3A_29 : i32 to index
      %swap3A_31 = arith.constant 0 : index
      %swap3A_32 = tpu.vector_load %arg8[%swap3A, %swap3A_31] {strides = array<i32>} : memref<128x144xf32, #tpu.memory_space<vmem>>, vector<1x16xf32>,
      %swap3A_33 = vector.shape_cast %swap3A_32 : vector<1x16xf32> to vector<16xf32>
      %swap3A_34 = vector.shape_cast %broadcast_in_dim3A_3 : vector<16xf32> to vector<1x16xf32>
      tpu.vector_store %arg8[%swap3A, %swap3A_31], %swap3A_34 {strides = array<i32>} : memref<128x144xf32, #tpu.memory_space<vmem>>, vector<1x16xf32>,
      %swap3A_35 = arith.index_cast %scan3A_29 : i32 to index
      %swap3A_36 = arith.constant 16 : index
      %swap3A_37 = tpu.vector_load %arg8[%swap3A_35, %swap3A_36] {strides = array<i32>} : memref<128x144xf32, #tpu.memory_space<vmem>>, vector<1x16xf32>,
      %swap3A_38 = vector.shape_cast %swap3A_37 : vector<1x16xf32> to vector<16xf32>
      %swap3A_39 = vector.shape_cast %broadcast_in_dim3A_3 : vector<16xf32> to vector<1x16xf32>
      tpu.vector_store %arg8[%swap3A_35, %swap3A_36], %swap3A_39 {strides = array<i32>} : memref<128x144xf32, #tpu.memory_space<vmem>>, vector<1x16xf32>,
      %swap3A_40 = arith.index_cast %scan3A_29 : i32 to index
      %swap3A_41 = arith.constant 32 : index
      %swap3A_42 = tpu.vector_load %arg8[%swap3A_40, %swap3A_41] {strides = array<i32>} : memref<128x144xf32, #tpu.memory_space<vmem>>, vector<1x16xf32>,
      %swap3A_43 = vector.shape_cast %swap3A_42 : vector<1x16xf32> to vector<16xf32>
      %swap3A_44 = vector.shape_cast %broadcast_in_dim3A_3 : vector<16xf32> to vector<1x16xf32>
      tpu.vector_store %arg8[%swap3A_40, %swap3A_41], %swap3A_44 {strides = array<i32>} : memref<128x144xf32, #tpu.memory_space<vmem>>, vector<1x16xf32>,
      %swap3A_45 = arith.index_cast %scan3A_29 : i32 to index
      %swap3A_46 = arith.constant 48 : index
      %swap3A_47 = tpu.vector_load %arg8[%swap3A_45, %swap3A_46] {strides = array<i32>} : memref<128x144xf32, #tpu.memory_space<vmem>>, vector<1x16xf32>,
      %swap3A_48 = vector.shape_cast %swap3A_47 : vector<1x16xf32> to vector<16xf32>
      %swap3A_49 = vector.shape_cast %broadcast_in_dim3A_3 : vector<16xf32> to vector<1x16xf32>
      tpu.vector_store %arg8[%swap3A_45, %swap3A_46], %swap3A_49 {strides = array<i32>} : memref<128x144xf32, #tpu.memory_space<vmem>>, vector<1x16xf32>,
      %swap3A_50 = arith.index_cast %scan3A_29 : i32 to index
      %swap3A_51 = arith.constant 64 : index
      %swap3A_52 = tpu.vector_load %arg8[%swap3A_50, %swap3A_51] {strides = array<i32>} : memref<128x144xf32, #tpu.memory_space<vmem>>, vector<1x16xf32>,
      %swap3A_53 = vector.shape_cast %swap3A_52 : vector<1x16xf32> to vector<16xf32>
      %swap3A_54 = vector.shape_cast %broadcast_in_dim3A_3 : vector<16xf32> to vector<1x16xf32>
      tpu.vector_store %arg8[%swap3A_50, %swap3A_51], %swap3A_54 {strides = array<i32>} : memref<128x144xf32, #tpu.memory_space<vmem>>, vector<1x16xf32>,
      %swap3A_55 = arith.index_cast %scan3A_29 : i32 to index
      %swap3A_56 = arith.constant 80 : index
      %swap3A_57 = tpu.vector_load %arg8[%swap3A_55, %swap3A_56] {strides = array<i32>} : memref<128x144xf32, #tpu.memory_space<vmem>>, vector<1x16xf32>,
      %swap3A_58 = vector.shape_cast %swap3A_57 : vector<1x16xf32> to vector<16xf32>
      %swap3A_59 = vector.shape_cast %broadcast_in_dim3A_3 : vector<16xf32> to vector<1x16xf32>
      tpu.vector_store %arg8[%swap3A_55, %swap3A_56], %swap3A_59 {strides = array<i32>} : memref<128x144xf32, #tpu.memory_space<vmem>>, vector<1x16xf32>,
      %swap3A_60 = arith.index_cast %scan3A_29 : i32 to index
      %swap3A_61 = arith.constant 96 : index
      %swap3A_62 = tpu.vector_load %arg8[%swap3A_60, %swap3A_61] {strides = array<i32>} : memref<128x144xf32, #tpu.memory_space<vmem>>, vector<1x16xf32>,
      %swap3A_63 = vector.shape_cast %swap3A_62 : vector<1x16xf32> to vector<16xf32>
      %swap3A_64 = vector.shape_cast %broadcast_in_dim3A_3 : vector<16xf32> to vector<1x16xf32>
      tpu.vector_store %arg8[%swap3A_60, %swap3A_61], %swap3A_64 {strides = array<i32>} : memref<128x144xf32, #tpu.memory_space<vmem>>, vector<1x16xf32>,
      %swap3A_65 = arith.index_cast %scan3A_29 : i32 to index
      %swap3A_66 = arith.constant 112 : index
      %swap3A_67 = tpu.vector_load %arg8[%swap3A_65, %swap3A_66] {strides = array<i32>} : memref<128x144xf32, #tpu.memory_space<vmem>>, vector<1x16xf32>,
      %swap3A_68 = vector.shape_cast %swap3A_67 : vector<1x16xf32> to vector<16xf32>
      %swap3A_69 = vector.shape_cast %broadcast_in_dim3A_3 : vector<16xf32> to vector<1x16xf32>
      tpu.vector_store %arg8[%swap3A_65, %swap3A_66], %swap3A_69 {strides = array<i32>} : memref<128x144xf32, #tpu.memory_space<vmem>>, vector<1x16xf32>,
      %swap3A_70 = arith.index_cast %scan3A_29 : i32 to index
      %swap3A_71 = arith.constant 128 : index
      %swap3A_72 = tpu.vector_load %arg8[%swap3A_70, %swap3A_71] {strides = array<i32>} : memref<128x144xf32, #tpu.memory_space<vmem>>, vector<1x16xf32>,
      %swap3A_73 = vector.shape_cast %swap3A_72 : vector<1x16xf32> to vector<16xf32>
      %swap3A_74 = vector.shape_cast %broadcast_in_dim3A_3 : vector<16xf32> to vector<1x16xf32>
      tpu.vector_store %arg8[%swap3A_70, %swap3A_71], %swap3A_74 {strides = array<i32>} : memref<128x144xf32, #tpu.memory_space<vmem>>, vector<1x16xf32>,
      %scan3A_75 = arith.constant 0 : i32
      scf.yield %scan3A_75 : i32
    }
    %scan3A_9 = arith.constant 128 : i32
    %add3A_10 = arith.constant 0 : i32
    %add3A_11 = arith.addi %mul3A_2, %add3A_10 : i32
    "tpu.region"() ({
      %run_scoped3A = tpu.sem_alloc : memref<!tpu.dma_semaphore, #tpu.memory_space<semaphore_mem>>
      %dma_start3A = arith.constant 0 : i32
      %dma_start3A_29 = tpu.memref_slice %arg9[%add3A_11, %dma_start3A] : memref<10112x144xf32, #tpu.memory_space<vmem_shared>> -> memref<128x144xf32, #tpu.memory_space<vmem_shared>>
      %dma_start3A_30 = arith.constant 0 : i32
      %dma_start3A_31 = tpu.memref_slice %arg9[%add3A_11, %dma_start3A_30] : memref<10112x144xf32, #tpu.memory_space<vmem_shared>> -> memref<128x144xf32, #tpu.memory_space<vmem_shared>>
      tpu.enqueue_dma source(%arg8 : memref<128x144xf32, #tpu.memory_space<vmem>>) target(%dma_start3A_31 : memref<128x144xf32, #tpu.memory_space<vmem_shared>>) target_semaphore(%run_scoped3A : memref<!tpu.dma_semaphore, #tpu.memory_space<semaphore_mem>>)
      %dma_wait3A = arith.constant 0 : i32
      %dma_wait3A_32 = tpu.memref_slice %arg9[%add3A_11, %dma_wait3A] : memref<10112x144xf32, #tpu.memory_space<vmem_shared>> -> memref<128x144xf32, #tpu.memory_space<vmem_shared>>
      %dma_wait3A_33 = arith.constant 0 : i32
      %dma_wait3A_34 = tpu.memref_slice %arg9[%add3A_11, %dma_wait3A_33] : memref<10112x144xf32, #tpu.memory_space<vmem_shared>> -> memref<128x144xf32, #tpu.memory_space<vmem_shared>>
      tpu.wait_dma2 semaphore(%run_scoped3A : memref<!tpu.dma_semaphore, #tpu.memory_space<semaphore_mem>>) src(%arg8 : memref<128x144xf32, #tpu.memory_space<vmem>>) dst(%dma_wait3A_34 : memref<128x144xf32, #tpu.memory_space<vmem_shared>>)
      tpu.yield
    }) : () -> ()
    %add3A_12 = arith.constant 128 : i32
    %add3A_13 = arith.addi %mul3A_2, %add3A_12 : i32
    "tpu.region"() ({
      %run_scoped3A = tpu.sem_alloc : memref<!tpu.dma_semaphore, #tpu.memory_space<semaphore_mem>>
      %dma_start3A = arith.constant 0 : i32
      %dma_start3A_29 = tpu.memref_slice %arg9[%add3A_13, %dma_start3A] : memref<10112x144xf32, #tpu.memory_space<vmem_shared>> -> memref<128x144xf32, #tpu.memory_space<vmem_shared>>
      %dma_start3A_30 = arith.constant 0 : i32
      %dma_start3A_31 = tpu.memref_slice %arg9[%add3A_13, %dma_start3A_30] : memref<10112x144xf32, #tpu.memory_space<vmem_shared>> -> memref<128x144xf32, #tpu.memory_space<vmem_shared>>
      tpu.enqueue_dma source(%arg8 : memref<128x144xf32, #tpu.memory_space<vmem>>) target(%dma_start3A_31 : memref<128x144xf32, #tpu.memory_space<vmem_shared>>) target_semaphore(%run_scoped3A : memref<!tpu.dma_semaphore, #tpu.memory_space<semaphore_mem>>)
      %dma_wait3A = arith.constant 0 : i32
      %dma_wait3A_32 = tpu.memref_slice %arg9[%add3A_13, %dma_wait3A] : memref<10112x144xf32, #tpu.memory_space<vmem_shared>> -> memref<128x144xf32, #tpu.memory_space<vmem_shared>>
      %dma_wait3A_33 = arith.constant 0 : i32
      %dma_wait3A_34 = tpu.memref_slice %arg9[%add3A_13, %dma_wait3A_33] : memref<10112x144xf32, #tpu.memory_space<vmem_shared>> -> memref<128x144xf32, #tpu.memory_space<vmem_shared>>
      tpu.wait_dma2 semaphore(%run_scoped3A : memref<!tpu.dma_semaphore, #tpu.memory_space<semaphore_mem>>) src(%arg8 : memref<128x144xf32, #tpu.memory_space<vmem>>) dst(%dma_wait3A_34 : memref<128x144xf32, #tpu.memory_space<vmem_shared>>)
      tpu.yield
    }) : () -> ()
    %add3A_14 = arith.constant 256 : i32
    %add3A_15 = arith.addi %mul3A_2, %add3A_14 : i32
    "tpu.region"() ({
      %run_scoped3A = tpu.sem_alloc : memref<!tpu.dma_semaphore, #tpu.memory_space<semaphore_mem>>
      %dma_start3A = arith.constant 0 : i32
      %dma_start3A_29 = tpu.memref_slice %arg9[%add3A_15, %dma_start3A] : memref<10112x144xf32, #tpu.memory_space<vmem_shared>> -> memref<128x144xf32, #tpu.memory_space<vmem_shared>>
      %dma_start3A_30 = arith.constant 0 : i32
      %dma_start3A_31 = tpu.memref_slice %arg9[%add3A_15, %dma_start3A_30] : memref<10112x144xf32, #tpu.memory_space<vmem_shared>> -> memref<128x144xf32, #tpu.memory_space<vmem_shared>>
      tpu.enqueue_dma source(%arg8 : memref<128x144xf32, #tpu.memory_space<vmem>>) target(%dma_start3A_31 : memref<128x144xf32, #tpu.memory_space<vmem_shared>>) target_semaphore(%run_scoped3A : memref<!tpu.dma_semaphore, #tpu.memory_space<semaphore_mem>>)
      %dma_wait3A = arith.constant 0 : i32
      %dma_wait3A_32 = tpu.memref_slice %arg9[%add3A_15, %dma_wait3A] : memref<10112x144xf32, #tpu.memory_space<vmem_shared>> -> memref<128x144xf32, #tpu.memory_space<vmem_shared>>
      %dma_wait3A_33 = arith.constant 0 : i32
      %dma_wait3A_34 = tpu.memref_slice %arg9[%add3A_15, %dma_wait3A_33] : memref<10112x144xf32, #tpu.memory_space<vmem_shared>> -> memref<128x144xf32, #tpu.memory_space<vmem_shared>>
      tpu.wait_dma2 semaphore(%run_scoped3A : memref<!tpu.dma_semaphore, #tpu.memory_space<semaphore_mem>>) src(%arg8 : memref<128x144xf32, #tpu.memory_space<vmem>>) dst(%dma_wait3A_34 : memref<128x144xf32, #tpu.memory_space<vmem_shared>>)
      tpu.yield
    }) : () -> ()
    %add3A_16 = arith.constant 384 : i32
    %add3A_17 = arith.addi %mul3A_2, %add3A_16 : i32
    "tpu.region"() ({
      %run_scoped3A = tpu.sem_alloc : memref<!tpu.dma_semaphore, #tpu.memory_space<semaphore_mem>>
      %dma_start3A = arith.constant 0 : i32
      %dma_start3A_29 = tpu.memref_slice %arg9[%add3A_17, %dma_start3A] : memref<10112x144xf32, #tpu.memory_space<vmem_shared>> -> memref<128x144xf32, #tpu.memory_space<vmem_shared>>
      %dma_start3A_30 = arith.constant 0 : i32
      %dma_start3A_31 = tpu.memref_slice %arg9[%add3A_17, %dma_start3A_30] : memref<10112x144xf32, #tpu.memory_space<vmem_shared>> -> memref<128x144xf32, #tpu.memory_space<vmem_shared>>
      tpu.enqueue_dma source(%arg8 : memref<128x144xf32, #tpu.memory_space<vmem>>) target(%dma_start3A_31 : memref<128x144xf32, #tpu.memory_space<vmem_shared>>) target_semaphore(%run_scoped3A : memref<!tpu.dma_semaphore, #tpu.memory_space<semaphore_mem>>)
      %dma_wait3A = arith.constant 0 : i32
      %dma_wait3A_32 = tpu.memref_slice %arg9[%add3A_17, %dma_wait3A] : memref<10112x144xf32, #tpu.memory_space<vmem_shared>> -> memref<128x144xf32, #tpu.memory_space<vmem_shared>>
      %dma_wait3A_33 = arith.constant 0 : i32
      %dma_wait3A_34 = tpu.memref_slice %arg9[%add3A_17, %dma_wait3A_33] : memref<10112x144xf32, #tpu.memory_space<vmem_shared>> -> memref<128x144xf32, #tpu.memory_space<vmem_shared>>
      tpu.wait_dma2 semaphore(%run_scoped3A : memref<!tpu.dma_semaphore, #tpu.memory_space<semaphore_mem>>) src(%arg8 : memref<128x144xf32, #tpu.memory_space<vmem>>) dst(%dma_wait3A_34 : memref<128x144xf32, #tpu.memory_space<vmem_shared>>)
      tpu.yield
    }) : () -> ()
    %add3A_18 = arith.constant 632 : i32
    %add3A_19 = arith.addi %mul3A_2, %add3A_18 : i32
    %sub3A = arith.constant 120 : i32
    %sub3A_20 = arith.subi %add3A_19, %sub3A : i32
    "tpu.region"() ({
      %run_scoped3A = tpu.sem_alloc : memref<!tpu.dma_semaphore, #tpu.memory_space<semaphore_mem>>
      %dma_start3A = arith.constant 0 : i32
      %dma_start3A_29 = arith.constant 0 : i32
      %dma_start3A_30 = tpu.memref_slice %arg8[%dma_start3A, %dma_start3A_29] : memref<128x144xf32, #tpu.memory_space<vmem>> -> memref<120x144xf32, #tpu.memory_space<vmem>>
      %dma_start3A_31 = arith.constant 0 : i32
      %dma_start3A_32 = tpu.memref_slice %arg9[%sub3A_20, %dma_start3A_31] : memref<10112x144xf32, #tpu.memory_space<vmem_shared>> -> memref<120x144xf32, #tpu.memory_space<vmem_shared>>
      %dma_start3A_33 = arith.constant 0 : i32
      %dma_start3A_34 = tpu.memref_slice %arg9[%sub3A_20, %dma_start3A_33] : memref<10112x144xf32, #tpu.memory_space<vmem_shared>> -> memref<120x144xf32, #tpu.memory_space<vmem_shared>>
      %dma_start3A_35 = arith.constant 0 : i32
      %dma_start3A_36 = arith.constant 0 : i32
      %dma_start3A_37 = tpu.memref_slice %arg8[%dma_start3A_35, %dma_start3A_36] : memref<128x144xf32, #tpu.memory_space<vmem>> -> memref<120x144xf32, #tpu.memory_space<vmem>>
      tpu.enqueue_dma source(%dma_start3A_37 : memref<120x144xf32, #tpu.memory_space<vmem>>) target(%dma_start3A_34 : memref<120x144xf32, #tpu.memory_space<vmem_shared>>) target_semaphore(%run_scoped3A : memref<!tpu.dma_semaphore, #tpu.memory_space<semaphore_mem>>)
      %dma_wait3A = arith.constant 0 : i32
      %dma_wait3A_38 = arith.constant 0 : i32
      %dma_wait3A_39 = tpu.memref_slice %arg8[%dma_wait3A, %dma_wait3A_38] : memref<128x144xf32, #tpu.memory_space<vmem>> -> memref<120x144xf32, #tpu.memory_space<vmem>>
      %dma_wait3A_40 = arith.constant 0 : i32
      %dma_wait3A_41 = tpu.memref_slice %arg9[%sub3A_20, %dma_wait3A_40] : memref<10112x144xf32, #tpu.memory_space<vmem_shared>> -> memref<120x144xf32, #tpu.memory_space<vmem_shared>>
      %dma_wait3A_42 = arith.constant 0 : i32
      %dma_wait3A_43 = tpu.memref_slice %arg9[%sub3A_20, %dma_wait3A_42] : memref<10112x144xf32, #tpu.memory_space<vmem_shared>> -> memref<120x144xf32, #tpu.memory_space<vmem_shared>>
      %dma_wait3A_44 = arith.constant 0 : i32
      %dma_wait3A_45 = arith.constant 0 : i32
      %dma_wait3A_46 = tpu.memref_slice %arg8[%dma_wait3A_44, %dma_wait3A_45] : memref<128x144xf32, #tpu.memory_space<vmem>> -> memref<120x144xf32, #tpu.memory_space<vmem>>
      tpu.wait_dma2 semaphore(%run_scoped3A : memref<!tpu.dma_semaphore, #tpu.memory_space<semaphore_mem>>) src(%dma_wait3A_46 : memref<120x144xf32, #tpu.memory_space<vmem>>) dst(%dma_wait3A_43 : memref<120x144xf32, #tpu.memory_space<vmem_shared>>)
      tpu.yield
    }) : () -> ()
    %barrier3A = arith.constant 0 : index
    tpu.barrier barrier_id(%barrier3A)
    "tpu.region"() ({
      %run_scoped3A = tpu.sem_alloc : memref<!tpu.dma_semaphore, #tpu.memory_space<semaphore_mem>>
      %dma_start3A = arith.constant 0 : i32
      %dma_start3A_29 = arith.constant 0 : i32
      %dma_start3A_30 = tpu.memref_slice %arg3[%add3A, %dma_start3A, %dma_start3A_29] : memref<32x79x128xi32, #tpu.memory_space<hbm>> -> memref<1x79x128xi32, #tpu.memory_space<hbm>>
      %dma_start3A_31 = tpu.memref_squeeze %dma_start3A_30 : memref<1x79x128xi32, #tpu.memory_space<hbm>> -> memref<79x128xi32, #tpu.memory_space<hbm>>
      %dma_start3A_32 = arith.constant 0 : i32
      %dma_start3A_33 = arith.constant 0 : i32
      %dma_start3A_34 = tpu.memref_slice %arg3[%add3A, %dma_start3A_32, %dma_start3A_33] : memref<32x79x128xi32, #tpu.memory_space<hbm>> -> memref<1x79x128xi32, #tpu.memory_space<hbm>>
      %dma_start3A_35 = tpu.memref_squeeze %dma_start3A_34 : memref<1x79x128xi32, #tpu.memory_space<hbm>> -> memref<79x128xi32, #tpu.memory_space<hbm>>
      tpu.enqueue_dma source(%dma_start3A_35 : memref<79x128xi32, #tpu.memory_space<hbm>>) target(%arg6 : memref<79x128xi32, #tpu.memory_space<vmem>>) target_semaphore(%run_scoped3A : memref<!tpu.dma_semaphore, #tpu.memory_space<semaphore_mem>>)
      %dma_wait3A = arith.constant 0 : i32
      %dma_wait3A_36 = arith.constant 0 : i32
      %dma_wait3A_37 = tpu.memref_slice %arg3[%add3A, %dma_wait3A, %dma_wait3A_36] : memref<32x79x128xi32, #tpu.memory_space<hbm>> -> memref<1x79x128xi32, #tpu.memory_space<hbm>>
      %dma_wait3A_38 = tpu.memref_squeeze %dma_wait3A_37 : memref<1x79x128xi32, #tpu.memory_space<hbm>> -> memref<79x128xi32, #tpu.memory_space<hbm>>
      %dma_wait3A_39 = arith.constant 0 : i32
      %dma_wait3A_40 = arith.constant 0 : i32
      %dma_wait3A_41 = tpu.memref_slice %arg3[%add3A, %dma_wait3A_39, %dma_wait3A_40] : memref<32x79x128xi32, #tpu.memory_space<hbm>> -> memref<1x79x128xi32, #tpu.memory_space<hbm>>
      %dma_wait3A_42 = tpu.memref_squeeze %dma_wait3A_41 : memref<1x79x128xi32, #tpu.memory_space<hbm>> -> memref<79x128xi32, #tpu.memory_space<hbm>>
      tpu.wait_dma2 semaphore(%run_scoped3A : memref<!tpu.dma_semaphore, #tpu.memory_space<semaphore_mem>>) src(%dma_wait3A_42 : memref<79x128xi32, #tpu.memory_space<hbm>>) dst(%arg6 : memref<79x128xi32, #tpu.memory_space<vmem>>)
      tpu.yield
    }) : () -> ()
    "tpu.region"() ({
      %run_scoped3A = tpu.sem_alloc : memref<!tpu.dma_semaphore, #tpu.memory_space<semaphore_mem>>
      %dma_start3A = arith.constant 0 : i32
      %dma_start3A_29 = arith.constant 0 : i32
      %dma_start3A_30 = tpu.memref_slice %arg4[%add3A, %dma_start3A, %dma_start3A_29] : memref<32x79x128xi32, #tpu.memory_space<hbm>> -> memref<1x79x128xi32, #tpu.memory_space<hbm>>
      %dma_start3A_31 = tpu.memref_squeeze %dma_start3A_30 : memref<1x79x128xi32, #tpu.memory_space<hbm>> -> memref<79x128xi32, #tpu.memory_space<hbm>>
      %dma_start3A_32 = arith.constant 0 : i32
      %dma_start3A_33 = arith.constant 0 : i32
      %dma_start3A_34 = tpu.memref_slice %arg4[%add3A, %dma_start3A_32, %dma_start3A_33] : memref<32x79x128xi32, #tpu.memory_space<hbm>> -> memref<1x79x128xi32, #tpu.memory_space<hbm>>
      %dma_start3A_35 = tpu.memref_squeeze %dma_start3A_34 : memref<1x79x128xi32, #tpu.memory_space<hbm>> -> memref<79x128xi32, #tpu.memory_space<hbm>>
      tpu.enqueue_dma source(%dma_start3A_35 : memref<79x128xi32, #tpu.memory_space<hbm>>) target(%arg7 : memref<79x128xi32, #tpu.memory_space<vmem>>) target_semaphore(%run_scoped3A : memref<!tpu.dma_semaphore, #tpu.memory_space<semaphore_mem>>)
      %dma_wait3A = arith.constant 0 : i32
      %dma_wait3A_36 = arith.constant 0 : i32
      %dma_wait3A_37 = tpu.memref_slice %arg4[%add3A, %dma_wait3A, %dma_wait3A_36] : memref<32x79x128xi32, #tpu.memory_space<hbm>> -> memref<1x79x128xi32, #tpu.memory_space<hbm>>
      %dma_wait3A_38 = tpu.memref_squeeze %dma_wait3A_37 : memref<1x79x128xi32, #tpu.memory_space<hbm>> -> memref<79x128xi32, #tpu.memory_space<hbm>>
      %dma_wait3A_39 = arith.constant 0 : i32
      %dma_wait3A_40 = arith.constant 0 : i32
      %dma_wait3A_41 = tpu.memref_slice %arg4[%add3A, %dma_wait3A_39, %dma_wait3A_40] : memref<32x79x128xi32, #tpu.memory_space<hbm>> -> memref<1x79x128xi32, #tpu.memory_space<hbm>>
      %dma_wait3A_42 = tpu.memref_squeeze %dma_wait3A_41 : memref<1x79x128xi32, #tpu.memory_space<hbm>> -> memref<79x128xi32, #tpu.memory_space<hbm>>
      tpu.wait_dma2 semaphore(%run_scoped3A : memref<!tpu.dma_semaphore, #tpu.memory_space<semaphore_mem>>) src(%dma_wait3A_42 : memref<79x128xi32, #tpu.memory_space<hbm>>) dst(%arg7 : memref<79x128xi32, #tpu.memory_space<vmem>>)
      tpu.yield
    }) : () -> ()
    %scan3A_21 = arith.constant 0 : i32
    %scan3A_22 = arith.constant 0 : i32
    %scan3A_23 = arith.constant 79 : i32
    %scan3A_24 = arith.addi %scan3A_22, %scan3A_23 : i32
    %scan3A_25 = arith.constant 1 : i32
    %scan3A_26 = scf.for %scan3A_29 = %scan3A_22 to %scan3A_24 step %scan3A_25 iter_args(%scan3A_30 = %scan3A_21) -> (i32)  : i32 {
      %dma_start3A = arith.constant 0 : i32
      %dma_start3A_31 = tpu.memref_slice %arg6[%scan3A_29, %dma_start3A] : memref<79x128xi32, #tpu.memory_space<vmem>> -> memref<1x128xi32, #tpu.memory_space<vmem>>
      %dma_start3A_32 = tpu.memref_squeeze %dma_start3A_31 : memref<1x128xi32, #tpu.memory_space<vmem>> -> memref<128xi32, #tpu.memory_space<vmem>>
      %dma_start3A_33 = arith.constant 0 : i32
      %dma_start3A_34 = arith.constant 0 : i32
      %dma_start3A_35 = tpu.memref_slice %arg2[%dma_start3A_33, %dma_start3A_34] : memref<10000x144xf32, #tpu.memory_space<hbm>> -> memref<10000x144xf32, #tpu.memory_space<hbm>>
      tpu.enqueue_indirect_dma source(%dma_start3A_35 : memref<10000x144xf32, #tpu.memory_space<hbm>>) target(%arg8 : memref<128x144xf32, #tpu.memory_space<vmem>>) offsets(%dma_start3A_32 : memref<128xi32, #tpu.memory_space<vmem>>) semaphore(%arg10 : memref<!tpu.dma_semaphore, #tpu.memory_space<semaphore_mem>>)
      %dma_wait3A = arith.constant 0 : i32
      %dma_wait3A_36 = tpu.memref_slice %arg6[%scan3A_29, %dma_wait3A] : memref<79x128xi32, #tpu.memory_space<vmem>> -> memref<1x128xi32, #tpu.memory_space<vmem>>
      %dma_wait3A_37 = tpu.memref_squeeze %dma_wait3A_36 : memref<1x128xi32, #tpu.memory_space<vmem>> -> memref<128xi32, #tpu.memory_space<vmem>>
      %dma_wait3A_38 = arith.constant 0 : i32
      %dma_wait3A_39 = arith.constant 0 : i32
      %dma_wait3A_40 = tpu.memref_slice %arg2[%dma_wait3A_38, %dma_wait3A_39] : memref<10000x144xf32, #tpu.memory_space<hbm>> -> memref<10000x144xf32, #tpu.memory_space<hbm>>
      tpu.wait_indirect_dma semaphore(%arg10 : memref<!tpu.dma_semaphore, #tpu.memory_space<semaphore_mem>>) src(%dma_wait3A_40 : memref<10000x144xf32, #tpu.memory_space<hbm>>) dst(%arg8 : memref<128x144xf32, #tpu.memory_space<vmem>>)
      "tpu.region"() ({
        %run_scoped3A = tpu.sem_alloc : memref<!tpu.dma_semaphore, #tpu.memory_space<semaphore_mem>>
        %dma_start3A_42 = arith.constant 0 : i32
        %dma_start3A_43 = tpu.memref_slice %arg7[%scan3A_29, %dma_start3A_42] : memref<79x128xi32, #tpu.memory_space<vmem>> -> memref<1x128xi32, #tpu.memory_space<vmem>>
        %dma_start3A_44 = tpu.memref_squeeze %dma_start3A_43 : memref<1x128xi32, #tpu.memory_space<vmem>> -> memref<128xi32, #tpu.memory_space<vmem>>
        %dma_start3A_45 = arith.constant 0 : i32
        %dma_start3A_46 = arith.constant 0 : i32
        %dma_start3A_47 = tpu.memref_slice %arg9[%dma_start3A_45, %dma_start3A_46] : memref<10112x144xf32, #tpu.memory_space<vmem_shared>> -> memref<10112x144xf32, #tpu.memory_space<vmem_shared>>
        tpu.enqueue_indirect_dma source(%arg8 : memref<128x144xf32, #tpu.memory_space<vmem>>) target(%dma_start3A_47 : memref<10112x144xf32, #tpu.memory_space<vmem_shared>>) offsets(%dma_start3A_44 : memref<128xi32, #tpu.memory_space<vmem>>) semaphore(%run_scoped3A : memref<!tpu.dma_semaphore, #tpu.memory_space<semaphore_mem>>) {add = true}
        %dma_wait3A_48 = arith.constant 0 : i32
        %dma_wait3A_49 = tpu.memref_slice %arg7[%scan3A_29, %dma_wait3A_48] : memref<79x128xi32, #tpu.memory_space<vmem>> -> memref<1x128xi32, #tpu.memory_space<vmem>>
        %dma_wait3A_50 = tpu.memref_squeeze %dma_wait3A_49 : memref<1x128xi32, #tpu.memory_space<vmem>> -> memref<128xi32, #tpu.memory_space<vmem>>
        %dma_wait3A_51 = arith.constant 0 : i32
        %dma_wait3A_52 = arith.constant 0 : i32
        %dma_wait3A_53 = tpu.memref_slice %arg9[%dma_wait3A_51, %dma_wait3A_52] : memref<10112x144xf32, #tpu.memory_space<vmem_shared>> -> memref<10112x144xf32, #tpu.memory_space<vmem_shared>>
        tpu.wait_indirect_dma semaphore(%run_scoped3A : memref<!tpu.dma_semaphore, #tpu.memory_space<semaphore_mem>>) src(%arg8 : memref<128x144xf32, #tpu.memory_space<vmem>>) dst(%dma_wait3A_53 : memref<10112x144xf32, #tpu.memory_space<vmem_shared>>)
        tpu.yield
      }) : () -> ()
      %scan3A_41 = arith.constant 0 : i32
      scf.yield %scan3A_41 : i32
    }
    %scan3A_27 = arith.constant 79 : i32
    %barrier3A_28 = arith.constant 0 : index
    tpu.barrier barrier_id(%barrier3A_28)
    "tpu.region"() ({
      %run_scoped3A = tpu.sem_alloc : memref<!tpu.dma_semaphore, #tpu.memory_space<semaphore_mem>>
      %dma_start3A = arith.constant 0 : i32
      %dma_start3A_29 = tpu.memref_slice %arg5[%arg0, %mul3A_2, %dma_start3A] : memref<2x10112x144xf32, #tpu.memory_space<hbm>> -> memref<1x632x144xf32, #tpu.memory_space<hbm>>
      %dma_start3A_30 = tpu.memref_squeeze %dma_start3A_29 : memref<1x632x144xf32, #tpu.memory_space<hbm>> -> memref<632x144xf32, #tpu.memory_space<hbm>>
      %dma_start3A_31 = arith.constant 0 : i32
      %dma_start3A_32 = tpu.memref_slice %arg9[%mul3A_2, %dma_start3A_31] : memref<10112x144xf32, #tpu.memory_space<vmem_shared>> -> memref<632x144xf32, #tpu.memory_space<vmem_shared>>
      tpu.enqueue_dma source(%dma_start3A_32 : memref<632x144xf32, #tpu.memory_space<vmem_shared>>) target(%dma_start3A_30 : memref<632x144xf32, #tpu.memory_space<hbm>>) target_semaphore(%run_scoped3A : memref<!tpu.dma_semaphore, #tpu.memory_space<semaphore_mem>>)
      %dma_wait3A = arith.constant 0 : i32
      %dma_wait3A_33 = tpu.memref_slice %arg5[%arg0, %mul3A_2, %dma_wait3A] : memref<2x10112x144xf32, #tpu.memory_space<hbm>> -> memref<1x632x144xf32, #tpu.memory_space<hbm>>
      %dma_wait3A_34 = tpu.memref_squeeze %dma_wait3A_33 : memref<1x632x144xf32, #tpu.memory_space<hbm>> -> memref<632x144xf32, #tpu.memory_space<hbm>>
      %dma_wait3A_35 = arith.constant 0 : i32
      %dma_wait3A_36 = tpu.memref_slice %arg9[%mul3A_2, %dma_wait3A_35] : memref<10112x144xf32, #tpu.memory_space<vmem_shared>> -> memref<632x144xf32, #tpu.memory_space<vmem_shared>>
      tpu.wait_dma2 semaphore(%run_scoped3A : memref<!tpu.dma_semaphore, #tpu.memory_space<semaphore_mem>>) src(%dma_wait3A_36 : memref<632x144xf32, #tpu.memory_space<vmem_shared>>) dst(%dma_wait3A_34 : memref<632x144xf32, #tpu.memory_space<hbm>>)
      tpu.yield
    }) : () -> ()
    return
  }
}

module attributes {stable_mosaic.version = 14 : i64} {
  func.func @tc_kernel(%arg0: i32, %arg1: memref<2x400x144xf32, #tpu.memory_space<vmem>>, %arg2: memref<128x128xf32, #tpu.memory_space<vmem>>, %arg3: memref<1x128xf32, #tpu.memory_space<vmem>>, %arg4: memref<400x128xf32, #tpu.memory_space<vmem>>) attributes {dimension_semantics = [#tpu.dimension_semantics<arbitrary>], iteration_bounds = array<i64: 25>, scalar_prefetch = 0 : i64, scratch_operands = 0 : i64, tpu.core_type = #tpu.core_type<tc>, window_params = [{transform_indices = @transform_0, window_bounds = array<i64: 2, 400, 144>}, {pipeline_mode = #tpu.pipeline_mode<synchronous>, transform_indices = @transform_1, window_bounds = array<i64: 128, 128>}, {pipeline_mode = #tpu.pipeline_mode<synchronous>, transform_indices = @transform_2, window_bounds = array<i64: 1, 128>}, {transform_indices = @transform_3, window_bounds = array<i64: 400, 128>}]} {
    %get3A = arith.constant 0 : index
    %get3A_0 = arith.constant 0 : index
    %get3A_1 = arith.constant 0 : index
    %get3A_2 = vector.load %arg1[%get3A, %get3A_0, %get3A_1] : memref<2x400x144xf32, #tpu.memory_space<vmem>>, vector<1x400x144xf32>
    %get3A_3 = vector.shape_cast %get3A_2 : vector<1x400x144xf32> to vector<400x144xf32>
    %get3A_4 = arith.constant 1 : index
    %get3A_5 = arith.constant 0 : index
    %get3A_6 = arith.constant 0 : index
    %get3A_7 = vector.load %arg1[%get3A_4, %get3A_5, %get3A_6] : memref<2x400x144xf32, #tpu.memory_space<vmem>>, vector<1x400x144xf32>
    %get3A_8 = vector.shape_cast %get3A_7 : vector<1x400x144xf32> to vector<400x144xf32>
    %add3A = arith.addf %get3A_3, %get3A_8 : vector<400x144xf32>
    %slice3A = vector.extract_strided_slice %add3A {offsets = [0, 0], sizes = [400, 128], strides = [1, 1]} : vector<400x144xf32> to vector<400x128xf32>
    %slice3A_9 = vector.extract_strided_slice %add3A {offsets = [0, 128], sizes = [400, 16], strides = [1, 1]} : vector<400x144xf32> to vector<400x16xf32>
    %reduce_max3A = arith.constant dense<0xFF800000> : vector<400xf32>
    %reduce_max3A_10 = vector.multi_reduction <maximumf>, %slice3A_9, %reduce_max3A [1] : vector<400x16xf32> to vector<400xf32>
    %max3A = arith.constant 1.000000e+00 : f32
    %max3A_11 = vector.broadcast %max3A : f32 to vector<400xf32>
    %max3A_12 = arith.maximumf %reduce_max3A_10, %max3A_11 : vector<400xf32>
    %broadcast_in_dim3A = vector.shape_cast %max3A_12 : vector<400xf32> to vector<400x1xf32>
    %div3A = vector.broadcast %broadcast_in_dim3A : vector<400x1xf32> to vector<400x128xf32>
    %div3A_13 = arith.divf %slice3A, %div3A : vector<400x128xf32>
    %get3A_14 = arith.constant 0 : index
    %get3A_15 = arith.constant 0 : index
    %get3A_16 = vector.load %arg2[%get3A_14, %get3A_15] : memref<128x128xf32, #tpu.memory_space<vmem>>, vector<128x128xf32>
    %dot_general3A = arith.constant dense<0.000000e+00> : vector<400x128xf32>
    %dot_general3A_17 = tpu.matmul %div3A_13, %get3A_16, %dot_general3A {dimension_numbers = #tpu.dot_dimension_numbers<[1], [1], [0], [0], [0, 0, 1, 0], [], []>, transpose_lhs_hint = false} : vector<400x128xf32>, vector<128x128xf32>, vector<400x128xf32> -> vector<400x128xf32>
    %get3A_18 = arith.constant 0 : index
    %get3A_19 = arith.constant 0 : index
    %get3A_20 = vector.load %arg3[%get3A_18, %get3A_19] : memref<1x128xf32, #tpu.memory_space<vmem>>, vector<1x128xf32>
    %add3A_21 = vector.broadcast %get3A_20 : vector<1x128xf32> to vector<400x128xf32>
    %add3A_22 = arith.addf %dot_general3A_17, %add3A_21 : vector<400x128xf32>
    %swap3A = arith.constant 0 : index
    %swap3A_23 = arith.constant 0 : index
    %swap3A_24 = vector.load %arg4[%swap3A, %swap3A_23] : memref<400x128xf32, #tpu.memory_space<vmem>>, vector<400x128xf32>
    tpu.vector_store %arg4[%swap3A, %swap3A_23], %add3A_22 {strides = array<i32>} : memref<400x128xf32, #tpu.memory_space<vmem>>, vector<400x128xf32>,
    return
  }
  func.func @transform_0(%arg0: i32) -> (i32, i32, i32) {
    %c0_i32 = arith.constant 0 : i32
    %c0_i32_0 = arith.constant 0 : i32
    %c0_i32_1 = arith.constant 0 : i32
    return %c0_i32, %arg0, %c0_i32_0 : i32, i32, i32
  }
  func.func @transform_1(%arg0: i32) -> (i32, i32) {
    %c0_i32 = arith.constant 0 : i32
    %c0_i32_0 = arith.constant 0 : i32
    %c0_i32_1 = arith.constant 0 : i32
    return %c0_i32, %c0_i32_0 : i32, i32
  }
  func.func @transform_2(%arg0: i32) -> (i32, i32) {
    %c0_i32 = arith.constant 0 : i32
    %c0_i32_0 = arith.constant 0 : i32
    %c0_i32_1 = arith.constant 0 : i32
    return %c0_i32, %c0_i32_0 : i32, i32
  }
  func.func @transform_3(%arg0: i32) -> (i32, i32) {
    %c0_i32 = arith.constant 0 : i32
    %c0_i32_0 = arith.constant 0 : i32
    return %arg0, %c0_i32 : i32, i32
  }
}

</mosaic_0001>

<sc_bundles>
// kernel: kernel.4.cloned.1.call-start
scs
__scs_entry_jumppad:
0x0: {  	(pc) =	sbr.rel $0x88, $3  }
0x1: {  	(tag) =	ssettag $0x0;
	lr =	simm.s32 $0x1  }
0x2: {  	[smem:$0x3F9D] =	sst lr;
	_ =	strace $0xD0000000  }
0x3: {  	_ = 	snop  }
0x4: {  	_ = 	snop  }
0x5: {  	_ = 	snop  }
0x6: {  	_ = 	snop  }
0x7: {  	_ = 	snop  }
__scs_overlays_trampoline_lowered:
0x8: {  	[smem:$0x3FAC] =	sst s0  }
0x9: {  	[smem:$0x3FAD] =	sst s1  }
0xa: {  	[smem:$0x3FAE] =	sst s2  }
0xb: {  	[smem:$0x3FAF] =	sst s3  }
0xc: {  	[smem:$0x3FB0] =	sst s4  }
0xd: {  	[smem:$0x3FB1] =	sst s5  }
0xe: {  	[smem:$0x3FB2] =	sst s6  }
0xf: {  	[smem:$0x3FB3] =	sst s7  }
0x10: {  	[smem:$0x3FB4] =	sst s8  }
0x11: {  	[smem:$0x3FB5] =	sst s9;
	s0 =	simm.s32 @!p0 $0x0  }
0x12: {  	s1 =	sld [smem:$0x3F9B];
	s0 =	simm.s32 @p0 $0x1  }
0x13: {  	[smem:$0x3FB6] =	sst s0;
	s0 =	simm.s32 @!p1 $0x0  }
0x14: {  	s2 =	sld [smem:$0x3F9A];
	s0 =	simm.s32 @p1 $0x1  }
0x15: {  	[smem:$0x3FB7] =	sst s0;
	s0 =	simm.s32 @!p2 $0x0  }
0x16: {  	s3 =	sld [smem:$0x3FDB];
	s0 =	simm.s32 @p2 $0x1  }
0x17: {  	s4 =	simm.s32 $0x1BF5;
	[smem:$0x3FB9] =	sst s0  }
0x18: {  	s0 =	sld [smem:$0x3F9C];
	_ =	swait.ge [sflag:s4], $0x0  }
0x19: {  	s7 =	sld [smem:$0x3F9D]  }
0x1a: {  	s8 =	sadd.s32 $0xFFFFE003, lr  }
0x1b: {  	s9 =	sadd.s32 $0xFFFFFEF7, lr;
	s5 =	simm.s32 $0xFFFFFFFF;
	p2 =	slt.u32 s8, $0xFFFFF086  }
0x1c: {  	p1 =	slt.u32 s9, $0xF7A;
	s5 =	simm.s32 @!p2 $0x0  }
0x1d: {  	s5 =	simm.s32 @p1 $0x1;
	p0 =	seq.s32 s7, s2  }
0x1e: {  	s7 =	smul.u32 @!p0 $0xF7A, s2;
	p2 =	seq.s32 @!p0 s5, $0x0  }
0x1f: {  	s9 =	smul.u32 $0xF7A, s1;
	s8 =	simm.s32 @!p0 $0x1BF5;
	p2 =	por !p2, p0  }
0x20: {  	[sflag:s8] =	ssyncset.s32 @!p0 $0xFFFFF086;
	s6 =	sadd.s32 @!p0 s3, s7;
	s7 =	simm.s32 @!p0 $0x108  }
0x21: {  	s3 =	sadd.s32 s3, s9;
	s6 =	sadd.s32 @!p0 $0x88, s6;
	s7 =	simm.s32 @p2 $0x1082  }
0x22: {  	[simem:s7], [sflag:s8] =	dma.local @!p0 [hbm:s6], $0xF7A  }
0x23: {  	s9 =	sor.u32 $0xD0000000, s2;
	s6 =	simm.s32 $0x108;
	_ =	swait.ge @!p0 [sflag:s8], $0x0  }
0x24: {  	s3 =	sadd.s32 $0x88, s3;
	s6 =	simm.s32 @!p1 $0x1082;
	[sflag:s4] =	ssyncset.s32 $0xFFFFF086  }
0x25: {  	[simem:s6], [sflag:s4] =	dma.local [hbm:s3], $0xF7A  }
0x26: {  	[smem:$0x3F9D] =	sst s1;
	(tag) =	ssettag s2;
	_ =	strace s9  }
0x27: {  	s1 =	sld [smem:$0x3FAD]  }
0x28: {  	s2 =	sld [smem:$0x3FAE]  }
0x29: {  	s4 =	sld [smem:$0x3FB0]  }
0x2a: {  	p0 =	seq.s32 s5, $0x0;
	s5 =	sld [smem:$0x3FB1]  }
0x2b: {  	s6 =	sld [smem:$0x3FB2]  }
0x2c: {  	s7 =	sld [smem:$0x3FB3]  }
0x2d: {  	s3 =	simm.s32 $0x108;
	s8 =	sld [smem:$0x3FB4]  }
0x2e: {  	s3 =	simm.s32 @!p0 $0x1082;
	s9 =	sld [smem:$0x3FB5]  }
0x2f: {  	lr =	sadd.s32 s0, s3;
	s0 =	sld [smem:$0x3FAC]  }
0x30: {  	s3 =	sld [smem:$0x3FAF]  }
0x31: {  	[smem:$0x3FB8] =	sst s10  }
0x32: {  	s10 =	sld [smem:$0x3FB6];
	_ =	sdelay $0x3  }
0x33: {  	p0 =	seq.s32 s10, $0x1;
	s10 =	sld [smem:$0x3FB8];
	_ =	sdelay $0x3  }
0x34: {  	[smem:$0x3FB8] =	sst s10  }
0x35: {  	s10 =	sld [smem:$0x3FB7];
	_ =	sdelay $0x3  }
0x36: {  	p1 =	seq.s32 s10, $0x1;
	s10 =	sld [smem:$0x3FB8];
	_ =	sdelay $0x3  }
0x37: {  	[smem:$0x3FB8] =	sst s10  }
0x38: {  	s10 =	sld [smem:$0x3FB9]  }
0x39: {  	_ = 	snop;
	(pc) =	sbr.ind lr, $3  }
0x3a: {  	_ = 	snop  }
0x3b: {  	_ = 	snop  }
0x3c: {  	p2 =	seq.s32 s10, $0x1;
	s10 =	sld [smem:$0x3FB8]  }
0x3d: {  	_ =	shalt  }
0x3e: {  	_ =	shalt  }
0x3f: {  	_ =	shalt  }
0x40: {  	_ =	shalt  }
0x41: {  	_ =	shalt  }
0x42: {  	_ =	shalt  }
0x43: {  	_ =	shalt  }
0x44: {  	_ =	shalt  }
0x45: {  	_ =	shalt  }
0x46: {  	_ =	shalt  }
0x47: {  	_ =	shalt  }
0x48: {  	_ =	shalt  }
0x49: {  	_ =	shalt  }
0x4a: {  	_ =	shalt  }
0x4b: {  	_ =	shalt  }
0x4c: {  	_ =	shalt  }
0x4d: {  	_ =	shalt  }
0x4e: {  	_ =	shalt  }
0x4f: {  	_ =	shalt  }
0x50: {  	_ =	shalt  }
0x51: {  	_ =	shalt  }
0x52: {  	_ =	shalt  }
0x53: {  	_ =	shalt  }
0x54: {  	_ =	shalt  }
0x55: {  	_ =	shalt  }
0x56: {  	_ =	shalt  }
0x57: {  	_ =	shalt  }
0x58: {  	_ =	shalt  }
0x59: {  	_ =	shalt  }
0x5a: {  	_ =	shalt  }
0x5b: {  	_ =	shalt  }
0x5c: {  	_ =	shalt  }
0x5d: {  	_ =	shalt  }
0x5e: {  	_ =	shalt  }
0x5f: {  	_ =	shalt  }
0x60: {  	_ =	shalt  }
0x61: {  	_ =	shalt  }
0x62: {  	_ =	shalt  }
0x63: {  	_ =	shalt  }
0x64: {  	_ =	shalt  }
0x65: {  	_ =	shalt  }
0x66: {  	_ =	shalt  }
0x67: {  	_ =	shalt  }
0x68: {  	_ =	shalt  }
0x69: {  	_ =	shalt  }
0x6a: {  	_ =	shalt  }
0x6b: {  	_ =	shalt  }
0x6c: {  	_ =	shalt  }
0x6d: {  	_ =	shalt  }
0x6e: {  	_ =	shalt  }
0x6f: {  	_ =	shalt  }
0x70: {  	_ =	shalt  }
0x71: {  	_ =	shalt  }
0x72: {  	_ =	shalt  }
0x73: {  	_ =	shalt  }
0x74: {  	_ =	shalt  }
0x75: {  	_ =	shalt  }
0x76: {  	_ =	shalt  }
0x77: {  	_ =	shalt  }
0x78: {  	_ =	shalt  }
0x79: {  	_ =	shalt  }
0x7a: {  	_ =	shalt  }
0x7b: {  	_ =	shalt  }
0x7c: {  	_ =	shalt  }
0x7d: {  	_ =	shalt  }
0x7e: {  	_ =	shalt  }
0x7f: {  	_ =	shalt  }
0x80: {  	_ =	shalt  }
0x81: {  	_ =	shalt  }
0x82: {  	_ =	shalt  }
0x83: {  	_ =	shalt  }
0x84: {  	_ =	shalt  }
0x85: {  	_ =	shalt  }
0x86: {  	_ =	shalt  }
0x87: {  	_ =	shalt  }
.Lfunc_end0:
.L_simem_size_0:
called_computation_lowered:
.L_overlay_start_0:
0x88: {  	s2 =	sld [smem:$0x3FD9]  }
0x89: {  	s3 =	sld [smem:$0x3FFE];
	_ =	sdelay $0x1  }
0x8a: {  	s1 =	srdreg.scid  }
0x8b: {  	s0 =	sand.u32 $0x1, s1  }
0x8c: {  	s17 =	sshll.u32 s0, $0xA;
	s2 =	sadd.s32 s3, s2  }
0x8d: {  	s2 =	sadd.s32 s2, s17  }
0x8e: {  	[smem:$0x3FC4] =	sst s2  }
0x8f: {  	_ = 	snop  }
0x90: {  	s2 =	sld [smem:$0x3FD0];
	(tm) =	ssettm $0x1  }
0x91: {  	s18 =	sld [smem:$0x3FFB];
	_ =	sdelay $0x3  }
0x92: {  	_ =	strace s18  }
0x93: {  	s3 =	sld [smem:$0x3FFC];
	_ =	sdelay $0x3  }
0x94: {  	_ =	strace s3  }
0x95: {  	s3 =	sld [smem:$0x3FFD];
	_ =	sdelay $0x3  }
0x96: {  	_ =	strace s3  }
0x97: {  	_ =	strace $0x8FFFFFFF  }
0x98: {  	s19 =	sld [smem:$0x3FDB];
	_ =	sdelay $0x1  }
0x99: {  	s4 =	simm.s32 $_scs_section_size  }
0x9a: {  	s5 =	simm.s32 $_size__tile_overlayer_lowered;
	s6 =	simm.s32 $_tile_overlayer_lowered  }
0x9b: {  	s22 =	simm.s32 $0x1BFF;
	s21 =	sshll.u32 s6, $0x1;
	s3 =	sadd.s32 s4, s19  }
0x9c: {  	s7 =	simm.s32 $0x0;
	s20 =	sshll.u32 s5, $0x1;
	s5 =	sadd.s32 s21, s3  }
0x9d: {  	[timem:s7], [sflag:s22] =	dma.local [hbm:s5], s20  }
0x9e: {  	_ =	swait.ge [sflag:s22], s20  }
0x9f: {  	s4 =	ssub.s32 $0x0, s20;
	[sflag:s22] =	ssyncset.done $0x0  }
0xa0: {  	[sflag:s22] =	ssyncadd.s32 s4;
	_ =	sdelay $0x1  }
0xa1: {  	s23 =	simm.s32 $0x1B8B  }
0xa2: {  	_ =	swait.ge [sflag:s23], $0x1  }
0xa3: {  	[sflag:s23] =	ssyncset.done $0x0  }
0xa4: {  	s25 =	simm.s32 $0x1B8E;
	s24 =	sld [smem:$0x3FFE];
	[sflag:s23] =	ssyncadd.s32 $0xFFFFFFFF  }
0xa5: {  	s26 =	simm.s32 $execute0_lowered;
	[smem:$0x3FD2] =	sst s25  }
0xa6: {  	s5 =	sshll.u32 s26, $0x1;
	_ =	strace $0x80000046;
	[dreg:$0x1] =	wrdreg $0xFFFFFFFF  }
0xa7: {  	s28 =	simm.s32 $_size_execute0_lowered;
	s3 =	sadd.s32 s3, s5;
	[dreg:$0x0] =	wrdreg $0x0  }
0xa8: {  	s5 =	sshll.u32 s28, $0x1;
	[dreg:$0x2] =	wrdreg s3  }
0xa9: {  	[dreg:$0x3] =	wrdreg s5  }
0xaa: {  	[dreg:$0x4] =	wrdreg $0xC0  }
0xab: {  	_ =	task [dreg:s7], $0x5FFFF  }
0xac: {  	[dreg:$0x1] =	wrdreg $0xFFFFFFFF  }
0xad: {  	[dreg:$0x0] =	wrdreg $0x60  }
0xae: {  	[dreg:$0x2] =	wrdreg s24  }
0xaf: {  	[dreg:$0x3] =	wrdreg s2  }
0xb0: {  	[dreg:$0x4] =	wrdreg $0x97000  }
0xb1: {  	[dreg:$0x5] =	wrdreg $0x9  }
0xb2: {  	_ =	task.clear_ibuf [dreg:s7], $0x6FFFF;
	_ =	strace $0x90000046  }
0xb3: {  	s29 =	simm.s32 $0x9;
	_ =	strace $0x80000048  }
0xb4: {  	_ =	swait.ge [sflag:s29], $0x1  }
0xb5: {  	[sflag:s29] =	ssyncadd.s32 $0xFFFFFFFF  }
0xb6: {  	_ =	strace $0x90000048  }
0xb7: {  	_ =	sfence  }
0xb8: {  	s30 =	sld [smem:$0x0];
	_ =	sdelay $0x2  }
0xb9: {  	s31 =	sshll.u32 s1, $0xD;
	s1 =	sshrl.u32 s1, $0x2  }
0xba: {  	s3 =	sand.u32 $0x4000, s31;
	s1 =	sadd.s32 s1, s30  }
0xbb: {  	s0 =	sor.u32 s3, s0;
	s1 =	sshll.u32 s1, $0x11  }
0xbc: {  	s0 =	sor.u32 s1, s0  }
0xbd: {  	s0 =	sadd.s32 $0x8F2B, s0  }
0xbe: {  	[sflag:s0] =	ssyncadd.remote.s32 $0x1  }
0xbf: {  	_ =	sfence.sel $0xFFFF  }
0xc0: {  	[dreg:$0x0] =	wrdreg $0xFFFFFFFF;
	(pc) =	sbr.abs _section_cstart, $3  }
0xc1: {  	[dreg:$0x1] =	wrdreg $0xFFFFFFFF  }
0xc2: {  	_ =	task.clear_ibuf [dreg:s7], $0x2FFFF;
	_ =	strace $0x9FFFFFFF  }
0xc3: {  	(tm) =	ssettm $0x7FFFFFFF  }
tec
execute0_lowered:
.L_overlay_start_1:
0x0: {  	(tag) =	ssettag $0x1  }
0x1: {  	s5 =	rddreg [dreg:$0x0]  }
0x2: {  	s10 =	rddreg [dreg:$0x1]  }
0x3: {  	s2 =	rddreg [dreg:$0x2];
	s3 =	srdreg.scid  }
0x4: {  	s0 =	rddreg [dreg:$0x3];
	s1 =	stileid.u32  }
0x5: {  	s15 =	simm.s32 $0x2;
	s16 =	simm.s32 $0x2780;
	s17 =	simm.s32 $0x80  }
0x6: {  	s18 =	simm.s32 $0x1;
	s6 =	sand.u32 $0x1, s3;
	s7 =	smul.u32 $0x16380, s1  }
0x7: {  	s3 =	simm.s32 $0x0;
	s9 =	smul.u32 $0x58E00, s1;
	s19 =	sshll.u32 s1, $0x6  }
0x8: {  	s4 =	sshll.u32 s6, $0x4;
	[smem:$0x7FF] =	sst s3;
	s8 =	smul.u32 $0x163800, s6  }
0x9: {  	s6 =	ssub.s32 $0x2, s6;
	s19 =	sor.u32 $0x1C02, s19;
	s4 =	sor.u32 s1, s4  }
0xa: {  	_ =	strace $0x80000047;
	s30 =	sshrl.u32 s6, $0x1;
	s31 =	sshrl.u32 s9, $0x2  }
0xb: {  	s11 =	smul.u32 $0x4F0, s4;
	s4 =	sadd.s32 $0x200, s5;
	s8 =	sadd.s32 s7, s8  }
0xc: {  	s14 =	ssub.s32 s6, s30;
	s9 =	sadd.s32 s31, s2;
	s8 =	sshrl.u32 s8, $0x3  }
0xd: {  	s6 =	sadd.s32 $0x4800, s9;
	s12 =	sadd.s32 s11, s5;
	s13 =	sadd.s32 s8, s5  }
0xe: {  	s5 =	sadd.s32 s7, s2;
	s7 =	sadd.s32 $0x9000, s9;
	s8 =	sadd.s32 $0xD800, s9  }
0xf: {  	s9 =	sadd.s32 $0x12000, s9;
	s10 =	sadd.s32 s10, s11;
	s11 =	sadd.s32 $0x2C200, s12  }
0x10: {  	v0 =	vimm.f32 $0.0e+00;
	s12 =	sadd.s32 $0x36000, s13;
	s13 =	smax.u32 s14, $0x1;
	s14 =	simm.s32 $0x4F00  }
.LBB2_1:
0x11: {  	s20 =	simm.s32 $0x0;
	s21 =	simm.s32 $0x240  }
.LBB2_2:
0x12: {  	p0 =	sne.s32 s21, $0x11DC0;
	[tilespmem:s20+$0x4F80] =	vst v0  }
0x13: {  	[tilespmem:s20+$0x4F00] =	vst v0  }
0x14: {  	[tilespmem:s20+$0x4F10] =	vst v0  }
0x15: {  	[tilespmem:s20+$0x4F20] =	vst v0  }
.Ltmp0:
0x16: {  	[tilespmem:s20+$0x4F30] =	vst v0;
	(pc) =	sbr.rel @p0 .LBB2_2-.Ltmp0, $4  }
0x17: {  	[tilespmem:s20+$0x4F40] =	vst v0  }
0x18: {  	[tilespmem:s20+$0x4F50] =	vst v0  }
0x19: {  	[tilespmem:s20+$0x4F60] =	vst v0  }
0x1a: {  	[tilespmem:s20+$0x4F70] =	vst v0;
	s20 =	sshra.s32 s21, $0x2;
	s21 =	sadd.s32 $0x240, s21  }
0x1b: {  	[tilespmem:s20+$0x4F80] =	vst v0  }
0x1c: {  	[tilespmem:s20+$0x4F00] =	vst v0  }
0x1d: {  	[tilespmem:s20+$0x4F10] =	vst v0  }
0x1e: {  	[tilespmem:s20+$0x4F20] =	vst v0  }
0x1f: {  	[tilespmem:s20+$0x4F30] =	vst v0  }
0x20: {  	[tilespmem:s20+$0x4F40] =	vst v0  }
0x21: {  	[tilespmem:s20+$0x4F50] =	vst v0  }
0x22: {  	[tilespmem:s20+$0x4F60] =	vst v0  }
0x23: {  	[tilespmem:s20+$0x4F70] =	vst v0  }
0x24: {  	[spmem:s5] =	stream.linear.scatter [tilespmem:s14], [sflag:$0x2], $0x4800, $0x38;
	[tilespmem:$0x1FA80] =	vst v63  }
0x25: {  	_ =	swait.ge [sflag:s15], $0x4800  }
0x26: {  	[sflag:s15] =	ssyncset.done $0x0  }
0x27: {  	[sflag:s15] =	ssyncadd.s32 $0xFFFFB800  }
0x28: {  	[spmem:s6] =	stream.linear.scatter [tilespmem:s14], [sflag:$0x2], $0x4800, $0x38;
	[tilespmem:$0x1FA80] =	vst v63  }
0x29: {  	_ =	swait.ge [sflag:s15], $0x4800  }
0x2a: {  	[sflag:s15] =	ssyncset.done $0x0  }
0x2b: {  	[sflag:s15] =	ssyncadd.s32 $0xFFFFB800  }
0x2c: {  	[spmem:s7] =	stream.linear.scatter [tilespmem:s14], [sflag:$0x2], $0x4800, $0x38;
	[tilespmem:$0x1FA80] =	vst v63  }
0x2d: {  	_ =	swait.ge [sflag:s15], $0x4800  }
0x2e: {  	[sflag:s15] =	ssyncset.done $0x0  }
0x2f: {  	[sflag:s15] =	ssyncadd.s32 $0xFFFFB800  }
0x30: {  	[spmem:s8] =	stream.linear.scatter [tilespmem:s14], [sflag:$0x2], $0x4800, $0x38;
	[tilespmem:$0x1FA80] =	vst v63  }
0x31: {  	_ =	swait.ge [sflag:s15], $0x4800  }
0x32: {  	[sflag:s15] =	ssyncset.done $0x0  }
0x33: {  	[sflag:s15] =	ssyncadd.s32 $0xFFFFB800  }
0x34: {  	[spmem:s9] =	stream.linear.scatter [tilespmem:s14], [sflag:$0x2], $0x4380, $0x38;
	[tilespmem:$0x1FA80] =	vst v63  }
0x35: {  	_ =	swait.ge [sflag:s15], $0x4380  }
0x36: {  	[sflag:s15] =	ssyncset.done $0x0  }
0x37: {  	[sflag:s15] =	ssyncadd.s32 $0xFFFFBC80  }
0x38: {  	s29 =	simm.s32 $0x0;
	[bflag:$0x0] =	sbarrier.arrive $0xFFFF  }
0x39: {  	[tilespmem:s29], [sflag:$0x2] =	stream.linear.gather [hbm4b:s10+s29], $0x2780, $0x38;
	[tilespmem:$0x1FA80] =	vst v63  }
0x3a: {  	_ =	swait.ge [sflag:s15], $0x2780  }
0x3b: {  	[sflag:s15] =	ssyncset.done $0x0  }
0x3c: {  	[sflag:s15] =	ssyncadd.s32 $0xFFFFD880  }
0x3d: {  	[tilespmem:s16], [sflag:$0x2] =	stream.linear.gather [hbm4b:s11+s29], $0x2780, $0x38;
	[tilespmem:$0x1FA80] =	vst v63  }
0x3e: {  	_ =	swait.ge [sflag:s15], $0x2780  }
0x3f: {  	[sflag:s15] =	ssyncset.done $0x0  }
0x40: {  	s30 =	simm.s32 $0x0;
	[sflag:s15] =	ssyncadd.s32 $0xFFFFD880  }
0x41: {  	[tilespmem:s14], [sflag:$0x1] =	stream.indirect.gather [hbm4b:s4+s17], $0x90, s30, s17, $0xb8;
	[tilespmem:$0x1FA80] =	vst v63  }
0x42: {  	_ =	swait.ge [sflag:s18], $0x4800  }
0x43: {  	[sflag:s18] =	ssyncset.done $0x0  }
0x44: {  	s31 =	simm.s32 $0x2780;
	[sflag:s18] =	ssyncadd.s32 $0xFFFFB800  }
0x45: {  	[spmem:s2] =	stream.indirect.scatter.add.f32 [tilespmem:s14], [sflag:$0x2], $0x90, s31, s17, $0xb8;
	[tilespmem:$0x1FA80] =	vst v63  }
0x46: {  	_ =	swait.ge [sflag:s15], $0x4800  }
0x47: {  	s20 =	simm.s32 $0x200;
	s21 =	simm.s32 $0x400;
	[sflag:s15] =	ssyncset.done $0x0  }
.LBB2_4:
0x48: {  	s22 =	sshra.s32 s20, $0x2  }
0x49: {  	[sflag:s15] =	ssyncadd.s32 $0xFFFFB800;
	s20 =	smov.u32 s21;
	s23 =	sadd.s32 $0x200, s21  }
0x4a: {  	[tilespmem:s14], [sflag:$0x1] =	stream.indirect.gather [hbm4b:s4+s17], $0x90, s22, s17, $0xb8;
	[tilespmem:$0x1FA80] =	vst v63  }
0x4b: {  	p0 =	sne.s32 s21, $0x9C00;
	_ =	swait.ge [sflag:s18], $0x4800  }
.Ltmp1:
0x4c: {  	[sflag:s18] =	ssyncset.done $0x0;
	(pc) =	sbr.rel @p0 .LBB2_4-.Ltmp1, $4  }
0x4d: {  	s21 =	sadd.s32 $0x2780, s22;
	[sflag:s18] =	ssyncadd.s32 $0xFFFFB800  }
0x4e: {  	[spmem:s2] =	stream.indirect.scatter.add.f32 [tilespmem:s14], [sflag:$0x2], $0x90, s21, s17, $0xb8;
	[tilespmem:$0x1FA80] =	vst v63  }
0x4f: {  	_ =	swait.ge [sflag:s15], $0x4800  }
0x50: {  	s21 =	smov.u32 s23;
	[sflag:s15] =	ssyncset.done $0x0  }
0x51: {  	s20 =	sshra.s32 s20, $0x2;
	[sflag:s15] =	ssyncadd.s32 $0xFFFFB800  }
0x52: {  	[tilespmem:s14], [sflag:$0x1] =	stream.indirect.gather [hbm4b:s4+s17], $0x90, s20, s17, $0xb8;
	[tilespmem:$0x1FA80] =	vst v63  }
0x53: {  	_ =	swait.ge [sflag:s18], $0x4800  }
0x54: {  	[sflag:s18] =	ssyncset.done $0x0  }
0x55: {  	s20 =	sadd.s32 $0x2780, s20;
	[sflag:s18] =	ssyncadd.s32 $0xFFFFB800  }
0x56: {  	[spmem:s2] =	stream.indirect.scatter.add.f32 [tilespmem:s14], [sflag:$0x2], $0x90, s20, s17, $0xb8;
	[tilespmem:$0x1FA80] =	vst v63  }
0x57: {  	_ =	swait.ge [sflag:s15], $0x4800  }
0x58: {  	s3 =	sadd.s32 $0x1, s3;
	[sflag:s15] =	ssyncset.done $0x0  }
0x59: {  	p0 =	sne.s32 s3, s13;
	[sflag:s15] =	ssyncadd.s32 $0xFFFFB800  }
.Ltmp2:
0x5a: {  	s31 =	sshrl.u32 s5, $0x3;
	[bflag:$0x0] =	sbarrier.arrive $0xFFFF;
	(pc) =	sbr.rel @p0 .LBB2_1-.Ltmp2, $4  }
0x5b: {  	[hbm:s12], [sflag:s19] =	dma.local [spmem:s31], $0x2C70  }
0x5c: {  	_ =	swait.ge [sflag:s15], $0x2C70  }
0x5d: {  	[sflag:s15] =	ssyncset.done $0x0  }
0x5e: {  	[sflag:s15] =	ssyncadd.s32 $0xFFFFD390  }
0x5f: {  	_ =	sfence.sel $0x180000  }
0x60: {  	[bflag:$0x0] =	sbarrier.arrive $0xFFFF  }
0x61: {  	p0 =	sne.s32 s1, $0x0;
	_ =	strace $0x90000047  }
0x62: {  	s0 =	sadd.s32 @!p0 $0x100000, s0;
	[bflag:$0x2] =	sbarrier.arrive $0xFFFF  }
0x63: {  	[sflag:s0] =	ssyncadd.tile.s32 @!p0 $0x1;
	_ =	shalt  }
.Lfunc_end2:
_tile_overlayer_lowered:
.L_overlay_start_2:
0x64: {  	(tag) =	ssettag $0x2  }
0x65: {  	s0 =	rddreg [dreg:$0x0];
	s2 =	stileid.u32  }
0x66: {  	s1 =	rddreg [dreg:$0x1];
	p0 =	sne.s32 s2, $0x0  }
0x67: {  	s3 =	rddreg [dreg:$0x2];
	[bflag:$0x3] =	sbarrier.arrive $0xFFFF;
	s2 =	simm.s32 @!p0 $0x1C02  }
0x68: {  	[timem:s3], [sflag:s2] =	dma.local @!p0 [hbm:s0], s1  }
0x69: {  	s0 =	simm.s32 @!p0 $0x2  }
0x6a: {  	_ =	swait.ge @!p0 [sflag:s0], s1  }
0x6b: {  	s1 =	ssub.s32 @!p0 $0x0, s1;
	[sflag:s0] =	ssyncset.done @!p0 $0x0  }
0x6c: {  	[sflag:s0] =	ssyncadd.s32 @!p0 s1  }
0x6d: {  	[bflag:$0x3] =	sbarrier.arrive $0xFFFF  }
0x6e: {  	_ =	shalt  }

</sc_bundles>
